<compile_context>
chip_gen: v7x
topology: tpu7x:2x2x1
jax: 0.10.2.dev20260603
libtpu: 0.0.44.dev20260713+nightly
codegen_flags: <defaults>
</compile_context>

<pallas_src>
import functools

import jax
import jax.numpy as jnp
from jax import lax
from jax.experimental import pallas as pl
from jax.experimental.pallas import tpu as pltpu
from jax.experimental.pallas import tpu_sc as plsc

N = 10000
E = 320000
D = 128
NUM_LAYERS = 3

NC = 2
NS = 16
NW = NC * NS

CHUNK = 128
TOTC = 2560
EPAD = TOTC * CHUNK
CPT0 = 96
CPT1 = 64
PB = 80
K = 2

NPAD = 10240
RPT = NPAD // NS

@functools.cache
def _mesh():
    return plsc.VectorSubcoreMesh(
        core_axis_name="c", subcore_axis_name="s", num_cores=NC, num_subcores=NS
    )



def _deg_body(pidx_hbm, degp_hbm, pidx, dbuf, ones_v, zbuf, dacc):
    cid = lax.axis_index("c")
    sid = lax.axis_index("s")
    wid = cid * NS + sid
    base = wid * (TOTC // NW)

    z16 = jnp.zeros((16,), jnp.float32)
    o16 = jnp.ones((16,), jnp.float32)
    for j in range(CHUNK // 16):
        ones_v[pl.ds(j * 16, 16)] = o16
    for j in range(RPT // 16):
        zbuf[pl.ds(j * 16, 16)] = z16

    pltpu.sync_copy(zbuf, dacc.at[pl.ds(sid * RPT, RPT)])
    pltpu.sync_copy(pidx_hbm.at[pl.ds(base, TOTC // NW)], pidx)
    plsc.subcore_barrier()

    def step(c, carry):
        for j in range(CHUNK // 16):
            v = pidx[c, pl.ds(j * 16, 16)]
            dbuf[pl.ds(j * 16, 16)] = lax.shift_right_logical(v, 14)
        pltpu.sync_copy(ones_v, dacc.at[dbuf], add=True)
        return carry

    lax.fori_loop(0, TOTC // NW, step, 0)
    plsc.subcore_barrier()
    pltpu.sync_copy(dacc.at[pl.ds(sid * RPT, RPT)],
                    degp_hbm.at[cid, pl.ds(sid * RPT, RPT)])


@jax.jit
def _deg_call(pidx_p):
    return pl.kernel(
        _deg_body,
        out_type=jax.ShapeDtypeStruct((NC, NPAD), jnp.float32),
        mesh=_mesh(),
        scratch_types=[
            pltpu.VMEM((TOTC // NW, CHUNK), jnp.int32),
            pltpu.VMEM((CHUNK,), jnp.int32),
            pltpu.VMEM((CHUNK,), jnp.float32),
            pltpu.VMEM((RPT,), jnp.float32),
            pltpu.VMEM_SHARED((NPAD,), jnp.float32),
        ],
    )(pidx_p)


def _layer_body(t_hbm, pidx_hbm, sp_hbm, pidx, sidx_r, didx_r, rows,
                acc, gsems, ssems):
    cid = lax.axis_index("c")
    sid = lax.axis_index("s")

    n_c = jnp.where(cid == 0, CPT0, CPT1)
    cbase = pl.multiple_of(
        jnp.where(cid == 0, sid * CPT0, NS * CPT0 + sid * CPT1), 8)

    z16 = jnp.zeros((16,), jnp.float32)

    def zrow(r, carry):
        for j in range(D // 16):
            rows[0, r, pl.ds(j * 16, 16)] = z16
        return carry

    lax.fori_loop(0, CHUNK, zrow, 0)
    for b in range(RPT // CHUNK):
        pltpu.sync_copy(rows.at[0], acc.at[pl.ds(sid * RPT + b * CHUNK, CHUNK)])
    pltpu.sync_copy(pidx_hbm.at[pl.ds(cbase, PB)], pidx)
    plsc.subcore_barrier()

    def unpack(l, b):
        for j in range(CHUNK // 16):
            v = pidx[l % PB, pl.ds(j * 16, 16)]
            sidx_r[b, pl.ds(j * 16, 16)] = v & 0x3FFF
            didx_r[b, pl.ds(j * 16, 16)] = lax.shift_right_logical(v, 14)

    def fire_gather(l, b):
        @pl.when(jnp.logical_and(l % PB == 0, l > 0))
        def _():
            pltpu.sync_copy(
                pidx_hbm.at[pl.ds(pl.multiple_of(cbase + l, 8), PB)], pidx)

        unpack(l, b)
        pltpu.async_copy(t_hbm.at[sidx_r.at[b]], rows.at[b], gsems.at[b])

    def drain_gather(b):
        pltpu.make_async_copy(t_hbm.at[sidx_r.at[b]], rows.at[b],
                              gsems.at[b]).wait()

    def fire_scatter(b):
        pltpu.async_copy(rows.at[b], acc.at[didx_r.at[b]], ssems.at[b],
                         add=True)

    def drain_scatter(b):
        pltpu.make_async_copy(rows.at[b], acc.at[pl.ds(0, CHUNK)],
                              ssems.at[b]).wait()

    def prologue(b, carry):
        fire_gather(b, b)
        return carry

    lax.fori_loop(0, jnp.minimum(K - 1, n_c), prologue, 0)

    def step(l, carry):
        b_fire = (l + K - 1) % K

        @pl.when(l > 0)
        def _():
            drain_scatter(b_fire)

        @pl.when(l + K - 1 < n_c)
        def _():
            fire_gather(l + K - 1, b_fire)

        b = l % K
        drain_gather(b)
        fire_scatter(b)
        return carry

    lax.fori_loop(0, n_c, step, 0)

    @pl.when(n_c > 0)
    def _():
        drain_scatter((n_c - 1) % K)
    plsc.subcore_barrier()
    pltpu.sync_copy(acc.at[pl.ds(sid * RPT, RPT)],
                    sp_hbm.at[cid, pl.ds(sid * RPT, RPT)])


@jax.jit
def _layer_call(t, pidx_p):
    return pl.kernel(
        _layer_body,
        out_type=jax.ShapeDtypeStruct((NC, NPAD, D), jnp.float32),
        mesh=_mesh(),
        scratch_types=[
            pltpu.VMEM((PB, CHUNK), jnp.int32),
            pltpu.VMEM((K, CHUNK), jnp.int32),
            pltpu.VMEM((K, CHUNK), jnp.int32),
            pltpu.VMEM((K, CHUNK, D), jnp.float32),
            pltpu.VMEM_SHARED((NPAD, D), jnp.float32),
            pltpu.SemaphoreType.DMA((K,)),
            pltpu.SemaphoreType.DMA((K,)),
        ],
    )(t, pidx_p)



def _scales_body(degp_ref, dis_ref, d2_ref):
    deg = degp_ref[0] + degp_ref[1]
    dis = jnp.where(deg > 0, lax.rsqrt(deg), 0.0)
    dis_ref[...] = dis
    d2_ref[...] = dis * dis


@jax.jit
def _scales_call(degp3):
    return pl.pallas_call(
        _scales_body,
        out_shape=(
            jax.ShapeDtypeStruct((NPAD // 128, 128), jnp.float32),
            jax.ShapeDtypeStruct((NPAD // 128, 128), jnp.float32),
        ),
    )(degp3)


def _rowscale_body(x_ref, s_ref, o_ref):
    o_ref[...] = x_ref[...] * s_ref[...]


@jax.jit
def _rowscale_call(x_p, dis_c):
    blk = 2048
    return pl.pallas_call(
        _rowscale_body,
        grid=(NPAD // blk,),
        in_specs=[
            pl.BlockSpec((blk, D), lambda i: (i, 0)),
            pl.BlockSpec((blk, 1), lambda i: (i, 0)),
        ],
        out_specs=pl.BlockSpec((blk, D), lambda i: (i, 0)),
        out_shape=jax.ShapeDtypeStruct((NPAD, D), jnp.float32),
    )(x_p, dis_c)


def _mid_body(sp_ref, d2_ref, prev_ref, t_ref, ssum_ref):
    s = sp_ref[0] + sp_ref[1]
    ssum_ref[...] = prev_ref[...] + s
    t_ref[...] = s * d2_ref[...]


@jax.jit
def _mid_call(sp, d2_c, prev):
    blk = 2048
    return pl.pallas_call(
        _mid_body,
        grid=(NPAD // blk,),
        in_specs=[
            pl.BlockSpec((NC, blk, D), lambda i: (0, i, 0)),
            pl.BlockSpec((blk, 1), lambda i: (i, 0)),
            pl.BlockSpec((blk, D), lambda i: (i, 0)),
        ],
        out_specs=[
            pl.BlockSpec((blk, D), lambda i: (i, 0)),
            pl.BlockSpec((blk, D), lambda i: (i, 0)),
        ],
        out_shape=(
            jax.ShapeDtypeStruct((NPAD, D), jnp.float32),
            jax.ShapeDtypeStruct((NPAD, D), jnp.float32),
        ),
    )(sp, d2_c, prev)


def _scaleout_body(ssum_ref, dis_ref, o_ref):
    alpha = 1.0 / (1.0 + NUM_LAYERS)
    o_ref[...] = ssum_ref[...] * (dis_ref[...] * alpha)


@jax.jit
def _scaleout_call(ssum, dis_c):
    blk = 2048
    return pl.pallas_call(
        _scaleout_body,
        grid=(NPAD // blk,),
        in_specs=[
            pl.BlockSpec((blk, D), lambda i: (i, 0)),
            pl.BlockSpec((blk, 1), lambda i: (i, 0)),
        ],
        out_specs=pl.BlockSpec((blk, D), lambda i: (i, 0)),
        out_shape=jax.ShapeDtypeStruct((NPAD, D), jnp.float32),
    )(ssum, dis_c)



def kernel(x, edge_index):
    src = edge_index[0]
    dst = edge_index[1]
    pad = EPAD - E
    fill = N + (jnp.arange(pad, dtype=jnp.int32) % (NPAD - N))
    src_p = jnp.concatenate([src.astype(jnp.int32), fill])
    dst_p = jnp.concatenate([dst.astype(jnp.int32), fill])
    dfill = N + (jnp.arange(PB * CHUNK, dtype=jnp.int32) % (NPAD - N))
    dummy = dfill | (dfill << 14)
    pidx_p = jnp.concatenate([src_p | (dst_p << 14), dummy]).reshape(
        TOTC + PB, CHUNK)
    x_p = jnp.zeros((NPAD, D), jnp.float32).at[:N].set(x)

    degp = _deg_call(pidx_p)
    dis80, d280 = _scales_call(degp.reshape(NC, NPAD // 128, 128))
    dis_c = dis80.reshape(NPAD, 1)
    d2_c = d280.reshape(NPAD, 1)

    t0 = _rowscale_call(x_p, dis_c)
    prev0 = jnp.zeros((NPAD, D), jnp.float32)

    def body(_, carry):
        t, prev = carry
        sp = _layer_call(t, pidx_p)
        return _mid_call(sp, d2_c, prev)

    _, ssum = lax.fori_loop(0, NUM_LAYERS, body, (t0, prev0))
    out_p = _scaleout_call(ssum, dis_c)
    return out_p[:N]

# --- scband reference (transcript-rebuilt; emitter-appended) ---
"""Pipeline reference for scband-light-gcn-17111149707373 (READ-ONLY COPY).

The authoritative reference and input builder live on the scoring server;
editing this copy changes nothing except your own understanding.
"""

import jax, jax.numpy as jnp
import numpy as np

NUM_NODES = 10000
NUM_EDGES = 320000
D = 128
NUM_LAYERS = 3


def setup_inputs(seed: int = 0) -> dict:
    key = jax.random.key(seed)
    k1, k2 = jax.random.split(key)
    x = jax.random.normal(k1, (NUM_NODES, D), dtype=jnp.float32) * 0.1
    edge_index = jax.random.randint(k2, (2, NUM_EDGES), 0, NUM_NODES, dtype=jnp.int32)
    return {"x": x, "edge_index": edge_index}


def _lightgcn_conv(x, src, dst, num_nodes):
    # symmetric normalization: deg computed on destination nodes
    deg = jax.ops.segment_sum(jnp.ones_like(dst, dtype=x.dtype), dst, num_segments=num_nodes)
    deg_inv_sqrt = jnp.where(deg > 0, deg ** -0.5, 0.0)
    norm = deg_inv_sqrt[src] * deg_inv_sqrt[dst]
    msg = x[src] * norm[:, None]
    return jax.ops.segment_sum(msg, dst, num_segments=num_nodes)


def reference(x, edge_index):
    src = edge_index[0]
    dst = edge_index[1]
    num_nodes = x.shape[0]
    xs = []
    h = x
    for _ in range(NUM_LAYERS):
        h = _lightgcn_conv(h, src, dst, num_nodes)
        xs.append(h)
    xs = jnp.stack(xs)
    alpha = 1.0 / (1.0 + NUM_LAYERS)
    out = (xs * alpha).sum(axis=0)
    return out

if __name__ == "__main__":
    import jax
    _d = setup_inputs()
    print(jax.jit(kernel)(*tuple(_d.values())))

</pallas_src>

<mosaic_0001>
#map = affine_map<(d0, d1) -> (0, 0)>
module attributes {stable_mosaic.version = 14 : i64} {
  func.func @_deg_body(%arg0: i32, %arg1: i32, %arg2: memref<2640x128xi32, #tpu.memory_space<hbm>>, %arg3: memref<2x10240xf32, #tpu.memory_space<hbm>>, %arg4: memref<80x128xi32, #tpu.memory_space<vmem>>, %arg5: memref<128xi32, #tpu.memory_space<vmem>>, %arg6: memref<128xf32, #tpu.memory_space<vmem>>, %arg7: memref<640xf32, #tpu.memory_space<vmem>>, %arg8: memref<10240xf32, #tpu.memory_space<vmem_shared>>) attributes {dimension_semantics = [#tpu.dimension_semantics<core_parallel>, #tpu.dimension_semantics<subcore_parallel>], iteration_bounds = array<i64: 2, 16>, scalar_prefetch = 0 : i64, scratch_operands = 5 : i64, tpu.core_type = #tpu.core_type<sc_vector_subcore>, window_params = [{transform_indices = #map}, {transform_indices = #map}]} {
    %mul3A = arith.constant 16 : i32
    %mul3A_0 = arith.muli %arg0, %mul3A : i32
    %add3A = arith.addi %mul3A_0, %arg1 : i32
    %mul3A_1 = arith.constant 80 : i32
    %mul3A_2 = arith.muli %add3A, %mul3A_1 : i32
    %broadcast_in_dim3A = arith.constant 0.000000e+00 : f32
    %broadcast_in_dim3A_3 = vector.broadcast %broadcast_in_dim3A : f32 to vector<16xf32>
    %broadcast_in_dim3A_4 = arith.constant 1.000000e+00 : f32
    %broadcast_in_dim3A_5 = vector.broadcast %broadcast_in_dim3A_4 : f32 to vector<16xf32>
    %swap3A = arith.constant 0 : index
    %swap3A_6 = tpu.vector_load %arg6[%swap3A] {strides = array<i32>} : memref<128xf32, #tpu.memory_space<vmem>>, vector<16xf32>,
    %swap3A_7 = vector.shape_cast %swap3A_6 : vector<16xf32> to vector<16xf32>
    %swap3A_8 = vector.shape_cast %broadcast_in_dim3A_5 : vector<16xf32> to vector<16xf32>
    tpu.vector_store %arg6[%swap3A], %swap3A_8 {strides = array<i32>} : memref<128xf32, #tpu.memory_space<vmem>>, vector<16xf32>,
    %swap3A_9 = arith.constant 16 : index
    %swap3A_10 = tpu.vector_load %arg6[%swap3A_9] {strides = array<i32>} : memref<128xf32, #tpu.memory_space<vmem>>, vector<16xf32>,
    %swap3A_11 = vector.shape_cast %swap3A_10 : vector<16xf32> to vector<16xf32>
    %swap3A_12 = vector.shape_cast %broadcast_in_dim3A_5 : vector<16xf32> to vector<16xf32>
    tpu.vector_store %arg6[%swap3A_9], %swap3A_12 {strides = array<i32>} : memref<128xf32, #tpu.memory_space<vmem>>, vector<16xf32>,
    %swap3A_13 = arith.constant 32 : index
    %swap3A_14 = tpu.vector_load %arg6[%swap3A_13] {strides = array<i32>} : memref<128xf32, #tpu.memory_space<vmem>>, vector<16xf32>,
    %swap3A_15 = vector.shape_cast %swap3A_14 : vector<16xf32> to vector<16xf32>
    %swap3A_16 = vector.shape_cast %broadcast_in_dim3A_5 : vector<16xf32> to vector<16xf32>
    tpu.vector_store %arg6[%swap3A_13], %swap3A_16 {strides = array<i32>} : memref<128xf32, #tpu.memory_space<vmem>>, vector<16xf32>,
    %swap3A_17 = arith.constant 48 : index
    %swap3A_18 = tpu.vector_load %arg6[%swap3A_17] {strides = array<i32>} : memref<128xf32, #tpu.memory_space<vmem>>, vector<16xf32>,
    %swap3A_19 = vector.shape_cast %swap3A_18 : vector<16xf32> to vector<16xf32>
    %swap3A_20 = vector.shape_cast %broadcast_in_dim3A_5 : vector<16xf32> to vector<16xf32>
    tpu.vector_store %arg6[%swap3A_17], %swap3A_20 {strides = array<i32>} : memref<128xf32, #tpu.memory_space<vmem>>, vector<16xf32>,
    %swap3A_21 = arith.constant 64 : index
    %swap3A_22 = tpu.vector_load %arg6[%swap3A_21] {strides = array<i32>} : memref<128xf32, #tpu.memory_space<vmem>>, vector<16xf32>,
    %swap3A_23 = vector.shape_cast %swap3A_22 : vector<16xf32> to vector<16xf32>
    %swap3A_24 = vector.shape_cast %broadcast_in_dim3A_5 : vector<16xf32> to vector<16xf32>
    tpu.vector_store %arg6[%swap3A_21], %swap3A_24 {strides = array<i32>} : memref<128xf32, #tpu.memory_space<vmem>>, vector<16xf32>,
    %swap3A_25 = arith.constant 80 : index
    %swap3A_26 = tpu.vector_load %arg6[%swap3A_25] {strides = array<i32>} : memref<128xf32, #tpu.memory_space<vmem>>, vector<16xf32>,
    %swap3A_27 = vector.shape_cast %swap3A_26 : vector<16xf32> to vector<16xf32>
    %swap3A_28 = vector.shape_cast %broadcast_in_dim3A_5 : vector<16xf32> to vector<16xf32>
    tpu.vector_store %arg6[%swap3A_25], %swap3A_28 {strides = array<i32>} : memref<128xf32, #tpu.memory_space<vmem>>, vector<16xf32>,
    %swap3A_29 = arith.constant 96 : index
    %swap3A_30 = tpu.vector_load %arg6[%swap3A_29] {strides = array<i32>} : memref<128xf32, #tpu.memory_space<vmem>>, vector<16xf32>,
    %swap3A_31 = vector.shape_cast %swap3A_30 : vector<16xf32> to vector<16xf32>
    %swap3A_32 = vector.shape_cast %broadcast_in_dim3A_5 : vector<16xf32> to vector<16xf32>
    tpu.vector_store %arg6[%swap3A_29], %swap3A_32 {strides = array<i32>} : memref<128xf32, #tpu.memory_space<vmem>>, vector<16xf32>,
    %swap3A_33 = arith.constant 112 : index
    %swap3A_34 = tpu.vector_load %arg6[%swap3A_33] {strides = array<i32>} : memref<128xf32, #tpu.memory_space<vmem>>, vector<16xf32>,
    %swap3A_35 = vector.shape_cast %swap3A_34 : vector<16xf32> to vector<16xf32>
    %swap3A_36 = vector.shape_cast %broadcast_in_dim3A_5 : vector<16xf32> to vector<16xf32>
    tpu.vector_store %arg6[%swap3A_33], %swap3A_36 {strides = array<i32>} : memref<128xf32, #tpu.memory_space<vmem>>, vector<16xf32>,
    %swap3A_37 = arith.constant 0 : index
    %swap3A_38 = tpu.vector_load %arg7[%swap3A_37] {strides = array<i32>} : memref<640xf32, #tpu.memory_space<vmem>>, vector<16xf32>,
    %swap3A_39 = vector.shape_cast %swap3A_38 : vector<16xf32> to vector<16xf32>
    %swap3A_40 = vector.shape_cast %broadcast_in_dim3A_3 : vector<16xf32> to vector<16xf32>
    tpu.vector_store %arg7[%swap3A_37], %swap3A_40 {strides = array<i32>} : memref<640xf32, #tpu.memory_space<vmem>>, vector<16xf32>,
    %swap3A_41 = arith.constant 16 : index
    %swap3A_42 = tpu.vector_load %arg7[%swap3A_41] {strides = array<i32>} : memref<640xf32, #tpu.memory_space<vmem>>, vector<16xf32>,
    %swap3A_43 = vector.shape_cast %swap3A_42 : vector<16xf32> to vector<16xf32>
    %swap3A_44 = vector.shape_cast %broadcast_in_dim3A_3 : vector<16xf32> to vector<16xf32>
    tpu.vector_store %arg7[%swap3A_41], %swap3A_44 {strides = array<i32>} : memref<640xf32, #tpu.memory_space<vmem>>, vector<16xf32>,
    %swap3A_45 = arith.constant 32 : index
    %swap3A_46 = tpu.vector_load %arg7[%swap3A_45] {strides = array<i32>} : memref<640xf32, #tpu.memory_space<vmem>>, vector<16xf32>,
    %swap3A_47 = vector.shape_cast %swap3A_46 : vector<16xf32> to vector<16xf32>
    %swap3A_48 = vector.shape_cast %broadcast_in_dim3A_3 : vector<16xf32> to vector<16xf32>
    tpu.vector_store %arg7[%swap3A_45], %swap3A_48 {strides = array<i32>} : memref<640xf32, #tpu.memory_space<vmem>>, vector<16xf32>,
    %swap3A_49 = arith.constant 48 : index
    %swap3A_50 = tpu.vector_load %arg7[%swap3A_49] {strides = array<i32>} : memref<640xf32, #tpu.memory_space<vmem>>, vector<16xf32>,
    %swap3A_51 = vector.shape_cast %swap3A_50 : vector<16xf32> to vector<16xf32>
    %swap3A_52 = vector.shape_cast %broadcast_in_dim3A_3 : vector<16xf32> to vector<16xf32>
    tpu.vector_store %arg7[%swap3A_49], %swap3A_52 {strides = array<i32>} : memref<640xf32, #tpu.memory_space<vmem>>, vector<16xf32>,
    %swap3A_53 = arith.constant 64 : index
    %swap3A_54 = tpu.vector_load %arg7[%swap3A_53] {strides = array<i32>} : memref<640xf32, #tpu.memory_space<vmem>>, vector<16xf32>,
    %swap3A_55 = vector.shape_cast %swap3A_54 : vector<16xf32> to vector<16xf32>
    %swap3A_56 = vector.shape_cast %broadcast_in_dim3A_3 : vector<16xf32> to vector<16xf32>
    tpu.vector_store %arg7[%swap3A_53], %swap3A_56 {strides = array<i32>} : memref<640xf32, #tpu.memory_space<vmem>>, vector<16xf32>,
    %swap3A_57 = arith.constant 80 : index
    %swap3A_58 = tpu.vector_load %arg7[%swap3A_57] {strides = array<i32>} : memref<640xf32, #tpu.memory_space<vmem>>, vector<16xf32>,
    %swap3A_59 = vector.shape_cast %swap3A_58 : vector<16xf32> to vector<16xf32>
    %swap3A_60 = vector.shape_cast %broadcast_in_dim3A_3 : vector<16xf32> to vector<16xf32>
    tpu.vector_store %arg7[%swap3A_57], %swap3A_60 {strides = array<i32>} : memref<640xf32, #tpu.memory_space<vmem>>, vector<16xf32>,
    %swap3A_61 = arith.constant 96 : index
    %swap3A_62 = tpu.vector_load %arg7[%swap3A_61] {strides = array<i32>} : memref<640xf32, #tpu.memory_space<vmem>>, vector<16xf32>,
    %swap3A_63 = vector.shape_cast %swap3A_62 : vector<16xf32> to vector<16xf32>
    %swap3A_64 = vector.shape_cast %broadcast_in_dim3A_3 : vector<16xf32> to vector<16xf32>
    tpu.vector_store %arg7[%swap3A_61], %swap3A_64 {strides = array<i32>} : memref<640xf32, #tpu.memory_space<vmem>>, vector<16xf32>,
    %swap3A_65 = arith.constant 112 : index
    %swap3A_66 = tpu.vector_load %arg7[%swap3A_65] {strides = array<i32>} : memref<640xf32, #tpu.memory_space<vmem>>, vector<16xf32>,
    %swap3A_67 = vector.shape_cast %swap3A_66 : vector<16xf32> to vector<16xf32>
    %swap3A_68 = vector.shape_cast %broadcast_in_dim3A_3 : vector<16xf32> to vector<16xf32>
    tpu.vector_store %arg7[%swap3A_65], %swap3A_68 {strides = array<i32>} : memref<640xf32, #tpu.memory_space<vmem>>, vector<16xf32>,
    %swap3A_69 = arith.constant 128 : index
    %swap3A_70 = tpu.vector_load %arg7[%swap3A_69] {strides = array<i32>} : memref<640xf32, #tpu.memory_space<vmem>>, vector<16xf32>,
    %swap3A_71 = vector.shape_cast %swap3A_70 : vector<16xf32> to vector<16xf32>
    %swap3A_72 = vector.shape_cast %broadcast_in_dim3A_3 : vector<16xf32> to vector<16xf32>
    tpu.vector_store %arg7[%swap3A_69], %swap3A_72 {strides = array<i32>} : memref<640xf32, #tpu.memory_space<vmem>>, vector<16xf32>,
    %swap3A_73 = arith.constant 144 : index
    %swap3A_74 = tpu.vector_load %arg7[%swap3A_73] {strides = array<i32>} : memref<640xf32, #tpu.memory_space<vmem>>, vector<16xf32>,
    %swap3A_75 = vector.shape_cast %swap3A_74 : vector<16xf32> to vector<16xf32>
    %swap3A_76 = vector.shape_cast %broadcast_in_dim3A_3 : vector<16xf32> to vector<16xf32>
    tpu.vector_store %arg7[%swap3A_73], %swap3A_76 {strides = array<i32>} : memref<640xf32, #tpu.memory_space<vmem>>, vector<16xf32>,
    %swap3A_77 = arith.constant 160 : index
    %swap3A_78 = tpu.vector_load %arg7[%swap3A_77] {strides = array<i32>} : memref<640xf32, #tpu.memory_space<vmem>>, vector<16xf32>,
    %swap3A_79 = vector.shape_cast %swap3A_78 : vector<16xf32> to vector<16xf32>
    %swap3A_80 = vector.shape_cast %broadcast_in_dim3A_3 : vector<16xf32> to vector<16xf32>
    tpu.vector_store %arg7[%swap3A_77], %swap3A_80 {strides = array<i32>} : memref<640xf32, #tpu.memory_space<vmem>>, vector<16xf32>,
    %swap3A_81 = arith.constant 176 : index
    %swap3A_82 = tpu.vector_load %arg7[%swap3A_81] {strides = array<i32>} : memref<640xf32, #tpu.memory_space<vmem>>, vector<16xf32>,
    %swap3A_83 = vector.shape_cast %swap3A_82 : vector<16xf32> to vector<16xf32>
    %swap3A_84 = vector.shape_cast %broadcast_in_dim3A_3 : vector<16xf32> to vector<16xf32>
    tpu.vector_store %arg7[%swap3A_81], %swap3A_84 {strides = array<i32>} : memref<640xf32, #tpu.memory_space<vmem>>, vector<16xf32>,
    %swap3A_85 = arith.constant 192 : index
    %swap3A_86 = tpu.vector_load %arg7[%swap3A_85] {strides = array<i32>} : memref<640xf32, #tpu.memory_space<vmem>>, vector<16xf32>,
    %swap3A_87 = vector.shape_cast %swap3A_86 : vector<16xf32> to vector<16xf32>
    %swap3A_88 = vector.shape_cast %broadcast_in_dim3A_3 : vector<16xf32> to vector<16xf32>
    tpu.vector_store %arg7[%swap3A_85], %swap3A_88 {strides = array<i32>} : memref<640xf32, #tpu.memory_space<vmem>>, vector<16xf32>,
    %swap3A_89 = arith.constant 208 : index
    %swap3A_90 = tpu.vector_load %arg7[%swap3A_89] {strides = array<i32>} : memref<640xf32, #tpu.memory_space<vmem>>, vector<16xf32>,
    %swap3A_91 = vector.shape_cast %swap3A_90 : vector<16xf32> to vector<16xf32>
    %swap3A_92 = vector.shape_cast %broadcast_in_dim3A_3 : vector<16xf32> to vector<16xf32>
    tpu.vector_store %arg7[%swap3A_89], %swap3A_92 {strides = array<i32>} : memref<640xf32, #tpu.memory_space<vmem>>, vector<16xf32>,
    %swap3A_93 = arith.constant 224 : index
    %swap3A_94 = tpu.vector_load %arg7[%swap3A_93] {strides = array<i32>} : memref<640xf32, #tpu.memory_space<vmem>>, vector<16xf32>,
    %swap3A_95 = vector.shape_cast %swap3A_94 : vector<16xf32> to vector<16xf32>
    %swap3A_96 = vector.shape_cast %broadcast_in_dim3A_3 : vector<16xf32> to vector<16xf32>
    tpu.vector_store %arg7[%swap3A_93], %swap3A_96 {strides = array<i32>} : memref<640xf32, #tpu.memory_space<vmem>>, vector<16xf32>,
    %swap3A_97 = arith.constant 240 : index
    %swap3A_98 = tpu.vector_load %arg7[%swap3A_97] {strides = array<i32>} : memref<640xf32, #tpu.memory_space<vmem>>, vector<16xf32>,
    %swap3A_99 = vector.shape_cast %swap3A_98 : vector<16xf32> to vector<16xf32>
    %swap3A_100 = vector.shape_cast %broadcast_in_dim3A_3 : vector<16xf32> to vector<16xf32>
    tpu.vector_store %arg7[%swap3A_97], %swap3A_100 {strides = array<i32>} : memref<640xf32, #tpu.memory_space<vmem>>, vector<16xf32>,
    %swap3A_101 = arith.constant 256 : index
    %swap3A_102 = tpu.vector_load %arg7[%swap3A_101] {strides = array<i32>} : memref<640xf32, #tpu.memory_space<vmem>>, vector<16xf32>,
    %swap3A_103 = vector.shape_cast %swap3A_102 : vector<16xf32> to vector<16xf32>
    %swap3A_104 = vector.shape_cast %broadcast_in_dim3A_3 : vector<16xf32> to vector<16xf32>
    tpu.vector_store %arg7[%swap3A_101], %swap3A_104 {strides = array<i32>} : memref<640xf32, #tpu.memory_space<vmem>>, vector<16xf32>,
    %swap3A_105 = arith.constant 272 : index
    %swap3A_106 = tpu.vector_load %arg7[%swap3A_105] {strides = array<i32>} : memref<640xf32, #tpu.memory_space<vmem>>, vector<16xf32>,
    %swap3A_107 = vector.shape_cast %swap3A_106 : vector<16xf32> to vector<16xf32>
    %swap3A_108 = vector.shape_cast %broadcast_in_dim3A_3 : vector<16xf32> to vector<16xf32>
    tpu.vector_store %arg7[%swap3A_105], %swap3A_108 {strides = array<i32>} : memref<640xf32, #tpu.memory_space<vmem>>, vector<16xf32>,
    %swap3A_109 = arith.constant 288 : index
    %swap3A_110 = tpu.vector_load %arg7[%swap3A_109] {strides = array<i32>} : memref<640xf32, #tpu.memory_space<vmem>>, vector<16xf32>,
    %swap3A_111 = vector.shape_cast %swap3A_110 : vector<16xf32> to vector<16xf32>
    %swap3A_112 = vector.shape_cast %broadcast_in_dim3A_3 : vector<16xf32> to vector<16xf32>
    tpu.vector_store %arg7[%swap3A_109], %swap3A_112 {strides = array<i32>} : memref<640xf32, #tpu.memory_space<vmem>>, vector<16xf32>,
    %swap3A_113 = arith.constant 304 : index
    %swap3A_114 = tpu.vector_load %arg7[%swap3A_113] {strides = array<i32>} : memref<640xf32, #tpu.memory_space<vmem>>, vector<16xf32>,
    %swap3A_115 = vector.shape_cast %swap3A_114 : vector<16xf32> to vector<16xf32>
    %swap3A_116 = vector.shape_cast %broadcast_in_dim3A_3 : vector<16xf32> to vector<16xf32>
    tpu.vector_store %arg7[%swap3A_113], %swap3A_116 {strides = array<i32>} : memref<640xf32, #tpu.memory_space<vmem>>, vector<16xf32>,
    %swap3A_117 = arith.constant 320 : index
    %swap3A_118 = tpu.vector_load %arg7[%swap3A_117] {strides = array<i32>} : memref<640xf32, #tpu.memory_space<vmem>>, vector<16xf32>,
    %swap3A_119 = vector.shape_cast %swap3A_118 : vector<16xf32> to vector<16xf32>
    %swap3A_120 = vector.shape_cast %broadcast_in_dim3A_3 : vector<16xf32> to vector<16xf32>
    tpu.vector_store %arg7[%swap3A_117], %swap3A_120 {strides = array<i32>} : memref<640xf32, #tpu.memory_space<vmem>>, vector<16xf32>,
    %swap3A_121 = arith.constant 336 : index
    %swap3A_122 = tpu.vector_load %arg7[%swap3A_121] {strides = array<i32>} : memref<640xf32, #tpu.memory_space<vmem>>, vector<16xf32>,
    %swap3A_123 = vector.shape_cast %swap3A_122 : vector<16xf32> to vector<16xf32>
    %swap3A_124 = vector.shape_cast %broadcast_in_dim3A_3 : vector<16xf32> to vector<16xf32>
    tpu.vector_store %arg7[%swap3A_121], %swap3A_124 {strides = array<i32>} : memref<640xf32, #tpu.memory_space<vmem>>, vector<16xf32>,
    %swap3A_125 = arith.constant 352 : index
    %swap3A_126 = tpu.vector_load %arg7[%swap3A_125] {strides = array<i32>} : memref<640xf32, #tpu.memory_space<vmem>>, vector<16xf32>,
    %swap3A_127 = vector.shape_cast %swap3A_126 : vector<16xf32> to vector<16xf32>
    %swap3A_128 = vector.shape_cast %broadcast_in_dim3A_3 : vector<16xf32> to vector<16xf32>
    tpu.vector_store %arg7[%swap3A_125], %swap3A_128 {strides = array<i32>} : memref<640xf32, #tpu.memory_space<vmem>>, vector<16xf32>,
    %swap3A_129 = arith.constant 368 : index
    %swap3A_130 = tpu.vector_load %arg7[%swap3A_129] {strides = array<i32>} : memref<640xf32, #tpu.memory_space<vmem>>, vector<16xf32>,
    %swap3A_131 = vector.shape_cast %swap3A_130 : vector<16xf32> to vector<16xf32>
    %swap3A_132 = vector.shape_cast %broadcast_in_dim3A_3 : vector<16xf32> to vector<16xf32>
    tpu.vector_store %arg7[%swap3A_129], %swap3A_132 {strides = array<i32>} : memref<640xf32, #tpu.memory_space<vmem>>, vector<16xf32>,
    %swap3A_133 = arith.constant 384 : index
    %swap3A_134 = tpu.vector_load %arg7[%swap3A_133] {strides = array<i32>} : memref<640xf32, #tpu.memory_space<vmem>>, vector<16xf32>,
    %swap3A_135 = vector.shape_cast %swap3A_134 : vector<16xf32> to vector<16xf32>
    %swap3A_136 = vector.shape_cast %broadcast_in_dim3A_3 : vector<16xf32> to vector<16xf32>
    tpu.vector_store %arg7[%swap3A_133], %swap3A_136 {strides = array<i32>} : memref<640xf32, #tpu.memory_space<vmem>>, vector<16xf32>,
    %swap3A_137 = arith.constant 400 : index
    %swap3A_138 = tpu.vector_load %arg7[%swap3A_137] {strides = array<i32>} : memref<640xf32, #tpu.memory_space<vmem>>, vector<16xf32>,
    %swap3A_139 = vector.shape_cast %swap3A_138 : vector<16xf32> to vector<16xf32>
    %swap3A_140 = vector.shape_cast %broadcast_in_dim3A_3 : vector<16xf32> to vector<16xf32>
    tpu.vector_store %arg7[%swap3A_137], %swap3A_140 {strides = array<i32>} : memref<640xf32, #tpu.memory_space<vmem>>, vector<16xf32>,
    %swap3A_141 = arith.constant 416 : index
    %swap3A_142 = tpu.vector_load %arg7[%swap3A_141] {strides = array<i32>} : memref<640xf32, #tpu.memory_space<vmem>>, vector<16xf32>,
    %swap3A_143 = vector.shape_cast %swap3A_142 : vector<16xf32> to vector<16xf32>
    %swap3A_144 = vector.shape_cast %broadcast_in_dim3A_3 : vector<16xf32> to vector<16xf32>
    tpu.vector_store %arg7[%swap3A_141], %swap3A_144 {strides = array<i32>} : memref<640xf32, #tpu.memory_space<vmem>>, vector<16xf32>,
    %swap3A_145 = arith.constant 432 : index
    %swap3A_146 = tpu.vector_load %arg7[%swap3A_145] {strides = array<i32>} : memref<640xf32, #tpu.memory_space<vmem>>, vector<16xf32>,
    %swap3A_147 = vector.shape_cast %swap3A_146 : vector<16xf32> to vector<16xf32>
    %swap3A_148 = vector.shape_cast %broadcast_in_dim3A_3 : vector<16xf32> to vector<16xf32>
    tpu.vector_store %arg7[%swap3A_145], %swap3A_148 {strides = array<i32>} : memref<640xf32, #tpu.memory_space<vmem>>, vector<16xf32>,
    %swap3A_149 = arith.constant 448 : index
    %swap3A_150 = tpu.vector_load %arg7[%swap3A_149] {strides = array<i32>} : memref<640xf32, #tpu.memory_space<vmem>>, vector<16xf32>,
    %swap3A_151 = vector.shape_cast %swap3A_150 : vector<16xf32> to vector<16xf32>
    %swap3A_152 = vector.shape_cast %broadcast_in_dim3A_3 : vector<16xf32> to vector<16xf32>
    tpu.vector_store %arg7[%swap3A_149], %swap3A_152 {strides = array<i32>} : memref<640xf32, #tpu.memory_space<vmem>>, vector<16xf32>,
    %swap3A_153 = arith.constant 464 : index
    %swap3A_154 = tpu.vector_load %arg7[%swap3A_153] {strides = array<i32>} : memref<640xf32, #tpu.memory_space<vmem>>, vector<16xf32>,
    %swap3A_155 = vector.shape_cast %swap3A_154 : vector<16xf32> to vector<16xf32>
    %swap3A_156 = vector.shape_cast %broadcast_in_dim3A_3 : vector<16xf32> to vector<16xf32>
    tpu.vector_store %arg7[%swap3A_153], %swap3A_156 {strides = array<i32>} : memref<640xf32, #tpu.memory_space<vmem>>, vector<16xf32>,
    %swap3A_157 = arith.constant 480 : index
    %swap3A_158 = tpu.vector_load %arg7[%swap3A_157] {strides = array<i32>} : memref<640xf32, #tpu.memory_space<vmem>>, vector<16xf32>,
    %swap3A_159 = vector.shape_cast %swap3A_158 : vector<16xf32> to vector<16xf32>
    %swap3A_160 = vector.shape_cast %broadcast_in_dim3A_3 : vector<16xf32> to vector<16xf32>
    tpu.vector_store %arg7[%swap3A_157], %swap3A_160 {strides = array<i32>} : memref<640xf32, #tpu.memory_space<vmem>>, vector<16xf32>,
    %swap3A_161 = arith.constant 496 : index
    %swap3A_162 = tpu.vector_load %arg7[%swap3A_161] {strides = array<i32>} : memref<640xf32, #tpu.memory_space<vmem>>, vector<16xf32>,
    %swap3A_163 = vector.shape_cast %swap3A_162 : vector<16xf32> to vector<16xf32>
    %swap3A_164 = vector.shape_cast %broadcast_in_dim3A_3 : vector<16xf32> to vector<16xf32>
    tpu.vector_store %arg7[%swap3A_161], %swap3A_164 {strides = array<i32>} : memref<640xf32, #tpu.memory_space<vmem>>, vector<16xf32>,
    %swap3A_165 = arith.constant 512 : index
    %swap3A_166 = tpu.vector_load %arg7[%swap3A_165] {strides = array<i32>} : memref<640xf32, #tpu.memory_space<vmem>>, vector<16xf32>,
    %swap3A_167 = vector.shape_cast %swap3A_166 : vector<16xf32> to vector<16xf32>
    %swap3A_168 = vector.shape_cast %broadcast_in_dim3A_3 : vector<16xf32> to vector<16xf32>
    tpu.vector_store %arg7[%swap3A_165], %swap3A_168 {strides = array<i32>} : memref<640xf32, #tpu.memory_space<vmem>>, vector<16xf32>,
    %swap3A_169 = arith.constant 528 : index
    %swap3A_170 = tpu.vector_load %arg7[%swap3A_169] {strides = array<i32>} : memref<640xf32, #tpu.memory_space<vmem>>, vector<16xf32>,
    %swap3A_171 = vector.shape_cast %swap3A_170 : vector<16xf32> to vector<16xf32>
    %swap3A_172 = vector.shape_cast %broadcast_in_dim3A_3 : vector<16xf32> to vector<16xf32>
    tpu.vector_store %arg7[%swap3A_169], %swap3A_172 {strides = array<i32>} : memref<640xf32, #tpu.memory_space<vmem>>, vector<16xf32>,
    %swap3A_173 = arith.constant 544 : index
    %swap3A_174 = tpu.vector_load %arg7[%swap3A_173] {strides = array<i32>} : memref<640xf32, #tpu.memory_space<vmem>>, vector<16xf32>,
    %swap3A_175 = vector.shape_cast %swap3A_174 : vector<16xf32> to vector<16xf32>
    %swap3A_176 = vector.shape_cast %broadcast_in_dim3A_3 : vector<16xf32> to vector<16xf32>
    tpu.vector_store %arg7[%swap3A_173], %swap3A_176 {strides = array<i32>} : memref<640xf32, #tpu.memory_space<vmem>>, vector<16xf32>,
    %swap3A_177 = arith.constant 560 : index
    %swap3A_178 = tpu.vector_load %arg7[%swap3A_177] {strides = array<i32>} : memref<640xf32, #tpu.memory_space<vmem>>, vector<16xf32>,
    %swap3A_179 = vector.shape_cast %swap3A_178 : vector<16xf32> to vector<16xf32>
    %swap3A_180 = vector.shape_cast %broadcast_in_dim3A_3 : vector<16xf32> to vector<16xf32>
    tpu.vector_store %arg7[%swap3A_177], %swap3A_180 {strides = array<i32>} : memref<640xf32, #tpu.memory_space<vmem>>, vector<16xf32>,
    %swap3A_181 = arith.constant 576 : index
    %swap3A_182 = tpu.vector_load %arg7[%swap3A_181] {strides = array<i32>} : memref<640xf32, #tpu.memory_space<vmem>>, vector<16xf32>,
    %swap3A_183 = vector.shape_cast %swap3A_182 : vector<16xf32> to vector<16xf32>
    %swap3A_184 = vector.shape_cast %broadcast_in_dim3A_3 : vector<16xf32> to vector<16xf32>
    tpu.vector_store %arg7[%swap3A_181], %swap3A_184 {strides = array<i32>} : memref<640xf32, #tpu.memory_space<vmem>>, vector<16xf32>,
    %swap3A_185 = arith.constant 592 : index
    %swap3A_186 = tpu.vector_load %arg7[%swap3A_185] {strides = array<i32>} : memref<640xf32, #tpu.memory_space<vmem>>, vector<16xf32>,
    %swap3A_187 = vector.shape_cast %swap3A_186 : vector<16xf32> to vector<16xf32>
    %swap3A_188 = vector.shape_cast %broadcast_in_dim3A_3 : vector<16xf32> to vector<16xf32>
    tpu.vector_store %arg7[%swap3A_185], %swap3A_188 {strides = array<i32>} : memref<640xf32, #tpu.memory_space<vmem>>, vector<16xf32>,
    %swap3A_189 = arith.constant 608 : index
    %swap3A_190 = tpu.vector_load %arg7[%swap3A_189] {strides = array<i32>} : memref<640xf32, #tpu.memory_space<vmem>>, vector<16xf32>,
    %swap3A_191 = vector.shape_cast %swap3A_190 : vector<16xf32> to vector<16xf32>
    %swap3A_192 = vector.shape_cast %broadcast_in_dim3A_3 : vector<16xf32> to vector<16xf32>
    tpu.vector_store %arg7[%swap3A_189], %swap3A_192 {strides = array<i32>} : memref<640xf32, #tpu.memory_space<vmem>>, vector<16xf32>,
    %swap3A_193 = arith.constant 624 : index
    %swap3A_194 = tpu.vector_load %arg7[%swap3A_193] {strides = array<i32>} : memref<640xf32, #tpu.memory_space<vmem>>, vector<16xf32>,
    %swap3A_195 = vector.shape_cast %swap3A_194 : vector<16xf32> to vector<16xf32>
    %swap3A_196 = vector.shape_cast %broadcast_in_dim3A_3 : vector<16xf32> to vector<16xf32>
    tpu.vector_store %arg7[%swap3A_193], %swap3A_196 {strides = array<i32>} : memref<640xf32, #tpu.memory_space<vmem>>, vector<16xf32>,
    %mul3A_197 = arith.constant 640 : i32
    %mul3A_198 = arith.muli %arg1, %mul3A_197 : i32
    "tpu.region"() ({
      %run_scoped3A = tpu.sem_alloc : memref<!tpu.dma_semaphore, #tpu.memory_space<semaphore_mem>>
      %dma_start3A = tpu.memref_slice %arg8[%mul3A_198] : memref<10240xf32, #tpu.memory_space<vmem_shared>> -> memref<640xf32, #tpu.memory_space<vmem_shared>>
      %dma_start3A_209 = tpu.memref_slice %arg8[%mul3A_198] : memref<10240xf32, #tpu.memory_space<vmem_shared>> -> memref<640xf32, #tpu.memory_space<vmem_shared>>
      tpu.enqueue_dma source(%arg7 : memref<640xf32, #tpu.memory_space<vmem>>) target(%dma_start3A_209 : memref<640xf32, #tpu.memory_space<vmem_shared>>) target_semaphore(%run_scoped3A : memref<!tpu.dma_semaphore, #tpu.memory_space<semaphore_mem>>)
      %dma_wait3A = tpu.memref_slice %arg8[%mul3A_198] : memref<10240xf32, #tpu.memory_space<vmem_shared>> -> memref<640xf32, #tpu.memory_space<vmem_shared>>
      %dma_wait3A_210 = tpu.memref_slice %arg8[%mul3A_198] : memref<10240xf32, #tpu.memory_space<vmem_shared>> -> memref<640xf32, #tpu.memory_space<vmem_shared>>
      tpu.wait_dma2 semaphore(%run_scoped3A : memref<!tpu.dma_semaphore, #tpu.memory_space<semaphore_mem>>) src(%arg7 : memref<640xf32, #tpu.memory_space<vmem>>) dst(%dma_wait3A_210 : memref<640xf32, #tpu.memory_space<vmem_shared>>)
      tpu.yield
    }) : () -> ()
    "tpu.region"() ({
      %run_scoped3A = tpu.sem_alloc : memref<!tpu.dma_semaphore, #tpu.memory_space<semaphore_mem>>
      %dma_start3A = arith.constant 0 : i32
      %dma_start3A_209 = tpu.memref_slice %arg2[%mul3A_2, %dma_start3A] : memref<2640x128xi32, #tpu.memory_space<hbm>> -> memref<80x128xi32, #tpu.memory_space<hbm>>
      %dma_start3A_210 = arith.constant 0 : i32
      %dma_start3A_211 = tpu.memref_slice %arg2[%mul3A_2, %dma_start3A_210] : memref<2640x128xi32, #tpu.memory_space<hbm>> -> memref<80x128xi32, #tpu.memory_space<hbm>>
      tpu.enqueue_dma source(%dma_start3A_211 : memref<80x128xi32, #tpu.memory_space<hbm>>) target(%arg4 : memref<80x128xi32, #tpu.memory_space<vmem>>) target_semaphore(%run_scoped3A : memref<!tpu.dma_semaphore, #tpu.memory_space<semaphore_mem>>)
      %dma_wait3A = arith.constant 0 : i32
      %dma_wait3A_212 = tpu.memref_slice %arg2[%mul3A_2, %dma_wait3A] : memref<2640x128xi32, #tpu.memory_space<hbm>> -> memref<80x128xi32, #tpu.memory_space<hbm>>
      %dma_wait3A_213 = arith.constant 0 : i32
      %dma_wait3A_214 = tpu.memref_slice %arg2[%mul3A_2, %dma_wait3A_213] : memref<2640x128xi32, #tpu.memory_space<hbm>> -> memref<80x128xi32, #tpu.memory_space<hbm>>
      tpu.wait_dma2 semaphore(%run_scoped3A : memref<!tpu.dma_semaphore, #tpu.memory_space<semaphore_mem>>) src(%dma_wait3A_214 : memref<80x128xi32, #tpu.memory_space<hbm>>) dst(%arg4 : memref<80x128xi32, #tpu.memory_space<vmem>>)
      tpu.yield
    }) : () -> ()
    %barrier3A = arith.constant 0 : index
    tpu.barrier barrier_id(%barrier3A)
    %scan3A = arith.constant 0 : i32
    %scan3A_199 = arith.constant 0 : i32
    %scan3A_200 = arith.constant 80 : i32
    %scan3A_201 = arith.addi %scan3A_199, %scan3A_200 : i32
    %scan3A_202 = arith.constant 1 : i32
    scf.for %scan3A_209 = %scan3A_199 to %scan3A_201 step %scan3A_202  : i32 {
      %get3A = arith.index_cast %scan3A_209 : i32 to index
      %get3A_210 = arith.constant 0 : index
      %get3A_211 = tpu.vector_load %arg4[%get3A, %get3A_210] {strides = array<i32>} : memref<80x128xi32, #tpu.memory_space<vmem>>, vector<1x16xi32>,
      %get3A_212 = vector.shape_cast %get3A_211 : vector<1x16xi32> to vector<16xi32>
      %shift_right_logical3A = arith.constant 14 : i32
      %shift_right_logical3A_213 = vector.broadcast %shift_right_logical3A : i32 to vector<16xi32>
      %shift_right_logical3A_214 = arith.shrui %get3A_212, %shift_right_logical3A_213 : vector<16xi32>
      %swap3A_215 = arith.constant 0 : index
      %swap3A_216 = tpu.vector_load %arg5[%swap3A_215] {strides = array<i32>} : memref<128xi32, #tpu.memory_space<vmem>>, vector<16xi32>,
      %swap3A_217 = vector.shape_cast %swap3A_216 : vector<16xi32> to vector<16xi32>
      %swap3A_218 = vector.shape_cast %shift_right_logical3A_214 : vector<16xi32> to vector<16xi32>
      tpu.vector_store %arg5[%swap3A_215], %swap3A_218 {strides = array<i32>} : memref<128xi32, #tpu.memory_space<vmem>>, vector<16xi32>,
      %get3A_219 = arith.index_cast %scan3A_209 : i32 to index
      %get3A_220 = arith.constant 16 : index
      %get3A_221 = tpu.vector_load %arg4[%get3A_219, %get3A_220] {strides = array<i32>} : memref<80x128xi32, #tpu.memory_space<vmem>>, vector<1x16xi32>,
      %get3A_222 = vector.shape_cast %get3A_221 : vector<1x16xi32> to vector<16xi32>
      %shift_right_logical3A_223 = arith.constant 14 : i32
      %shift_right_logical3A_224 = vector.broadcast %shift_right_logical3A_223 : i32 to vector<16xi32>
      %shift_right_logical3A_225 = arith.shrui %get3A_222, %shift_right_logical3A_224 : vector<16xi32>
      %swap3A_226 = arith.constant 16 : index
      %swap3A_227 = tpu.vector_load %arg5[%swap3A_226] {strides = array<i32>} : memref<128xi32, #tpu.memory_space<vmem>>, vector<16xi32>,
      %swap3A_228 = vector.shape_cast %swap3A_227 : vector<16xi32> to vector<16xi32>
      %swap3A_229 = vector.shape_cast %shift_right_logical3A_225 : vector<16xi32> to vector<16xi32>
      tpu.vector_store %arg5[%swap3A_226], %swap3A_229 {strides = array<i32>} : memref<128xi32, #tpu.memory_space<vmem>>, vector<16xi32>,
      %get3A_230 = arith.index_cast %scan3A_209 : i32 to index
      %get3A_231 = arith.constant 32 : index
      %get3A_232 = tpu.vector_load %arg4[%get3A_230, %get3A_231] {strides = array<i32>} : memref<80x128xi32, #tpu.memory_space<vmem>>, vector<1x16xi32>,
      %get3A_233 = vector.shape_cast %get3A_232 : vector<1x16xi32> to vector<16xi32>
      %shift_right_logical3A_234 = arith.constant 14 : i32
      %shift_right_logical3A_235 = vector.broadcast %shift_right_logical3A_234 : i32 to vector<16xi32>
      %shift_right_logical3A_236 = arith.shrui %get3A_233, %shift_right_logical3A_235 : vector<16xi32>
      %swap3A_237 = arith.constant 32 : index
      %swap3A_238 = tpu.vector_load %arg5[%swap3A_237] {strides = array<i32>} : memref<128xi32, #tpu.memory_space<vmem>>, vector<16xi32>,
      %swap3A_239 = vector.shape_cast %swap3A_238 : vector<16xi32> to vector<16xi32>
      %swap3A_240 = vector.shape_cast %shift_right_logical3A_236 : vector<16xi32> to vector<16xi32>
      tpu.vector_store %arg5[%swap3A_237], %swap3A_240 {strides = array<i32>} : memref<128xi32, #tpu.memory_space<vmem>>, vector<16xi32>,
      %get3A_241 = arith.index_cast %scan3A_209 : i32 to index
      %get3A_242 = arith.constant 48 : index
      %get3A_243 = tpu.vector_load %arg4[%get3A_241, %get3A_242] {strides = array<i32>} : memref<80x128xi32, #tpu.memory_space<vmem>>, vector<1x16xi32>,
      %get3A_244 = vector.shape_cast %get3A_243 : vector<1x16xi32> to vector<16xi32>
      %shift_right_logical3A_245 = arith.constant 14 : i32
      %shift_right_logical3A_246 = vector.broadcast %shift_right_logical3A_245 : i32 to vector<16xi32>
      %shift_right_logical3A_247 = arith.shrui %get3A_244, %shift_right_logical3A_246 : vector<16xi32>
      %swap3A_248 = arith.constant 48 : index
      %swap3A_249 = tpu.vector_load %arg5[%swap3A_248] {strides = array<i32>} : memref<128xi32, #tpu.memory_space<vmem>>, vector<16xi32>,
      %swap3A_250 = vector.shape_cast %swap3A_249 : vector<16xi32> to vector<16xi32>
      %swap3A_251 = vector.shape_cast %shift_right_logical3A_247 : vector<16xi32> to vector<16xi32>
      tpu.vector_store %arg5[%swap3A_248], %swap3A_251 {strides = array<i32>} : memref<128xi32, #tpu.memory_space<vmem>>, vector<16xi32>,
      %get3A_252 = arith.index_cast %scan3A_209 : i32 to index
      %get3A_253 = arith.constant 64 : index
      %get3A_254 = tpu.vector_load %arg4[%get3A_252, %get3A_253] {strides = array<i32>} : memref<80x128xi32, #tpu.memory_space<vmem>>, vector<1x16xi32>,
      %get3A_255 = vector.shape_cast %get3A_254 : vector<1x16xi32> to vector<16xi32>
      %shift_right_logical3A_256 = arith.constant 14 : i32
      %shift_right_logical3A_257 = vector.broadcast %shift_right_logical3A_256 : i32 to vector<16xi32>
      %shift_right_logical3A_258 = arith.shrui %get3A_255, %shift_right_logical3A_257 : vector<16xi32>
      %swap3A_259 = arith.constant 64 : index
      %swap3A_260 = tpu.vector_load %arg5[%swap3A_259] {strides = array<i32>} : memref<128xi32, #tpu.memory_space<vmem>>, vector<16xi32>,
      %swap3A_261 = vector.shape_cast %swap3A_260 : vector<16xi32> to vector<16xi32>
      %swap3A_262 = vector.shape_cast %shift_right_logical3A_258 : vector<16xi32> to vector<16xi32>
      tpu.vector_store %arg5[%swap3A_259], %swap3A_262 {strides = array<i32>} : memref<128xi32, #tpu.memory_space<vmem>>, vector<16xi32>,
      %get3A_263 = arith.index_cast %scan3A_209 : i32 to index
      %get3A_264 = arith.constant 80 : index
      %get3A_265 = tpu.vector_load %arg4[%get3A_263, %get3A_264] {strides = array<i32>} : memref<80x128xi32, #tpu.memory_space<vmem>>, vector<1x16xi32>,
      %get3A_266 = vector.shape_cast %get3A_265 : vector<1x16xi32> to vector<16xi32>
      %shift_right_logical3A_267 = arith.constant 14 : i32
      %shift_right_logical3A_268 = vector.broadcast %shift_right_logical3A_267 : i32 to vector<16xi32>
      %shift_right_logical3A_269 = arith.shrui %get3A_266, %shift_right_logical3A_268 : vector<16xi32>
      %swap3A_270 = arith.constant 80 : index
      %swap3A_271 = tpu.vector_load %arg5[%swap3A_270] {strides = array<i32>} : memref<128xi32, #tpu.memory_space<vmem>>, vector<16xi32>,
      %swap3A_272 = vector.shape_cast %swap3A_271 : vector<16xi32> to vector<16xi32>
      %swap3A_273 = vector.shape_cast %shift_right_logical3A_269 : vector<16xi32> to vector<16xi32>
      tpu.vector_store %arg5[%swap3A_270], %swap3A_273 {strides = array<i32>} : memref<128xi32, #tpu.memory_space<vmem>>, vector<16xi32>,
      %get3A_274 = arith.index_cast %scan3A_209 : i32 to index
      %get3A_275 = arith.constant 96 : index
      %get3A_276 = tpu.vector_load %arg4[%get3A_274, %get3A_275] {strides = array<i32>} : memref<80x128xi32, #tpu.memory_space<vmem>>, vector<1x16xi32>,
      %get3A_277 = vector.shape_cast %get3A_276 : vector<1x16xi32> to vector<16xi32>
      %shift_right_logical3A_278 = arith.constant 14 : i32
      %shift_right_logical3A_279 = vector.broadcast %shift_right_logical3A_278 : i32 to vector<16xi32>
      %shift_right_logical3A_280 = arith.shrui %get3A_277, %shift_right_logical3A_279 : vector<16xi32>
      %swap3A_281 = arith.constant 96 : index
      %swap3A_282 = tpu.vector_load %arg5[%swap3A_281] {strides = array<i32>} : memref<128xi32, #tpu.memory_space<vmem>>, vector<16xi32>,
      %swap3A_283 = vector.shape_cast %swap3A_282 : vector<16xi32> to vector<16xi32>
      %swap3A_284 = vector.shape_cast %shift_right_logical3A_280 : vector<16xi32> to vector<16xi32>
      tpu.vector_store %arg5[%swap3A_281], %swap3A_284 {strides = array<i32>} : memref<128xi32, #tpu.memory_space<vmem>>, vector<16xi32>,
      %get3A_285 = arith.index_cast %scan3A_209 : i32 to index
      %get3A_286 = arith.constant 112 : index
      %get3A_287 = tpu.vector_load %arg4[%get3A_285, %get3A_286] {strides = array<i32>} : memref<80x128xi32, #tpu.memory_space<vmem>>, vector<1x16xi32>,
      %get3A_288 = vector.shape_cast %get3A_287 : vector<1x16xi32> to vector<16xi32>
      %shift_right_logical3A_289 = arith.constant 14 : i32
      %shift_right_logical3A_290 = vector.broadcast %shift_right_logical3A_289 : i32 to vector<16xi32>
      %shift_right_logical3A_291 = arith.shrui %get3A_288, %shift_right_logical3A_290 : vector<16xi32>
      %swap3A_292 = arith.constant 112 : index
      %swap3A_293 = tpu.vector_load %arg5[%swap3A_292] {strides = array<i32>} : memref<128xi32, #tpu.memory_space<vmem>>, vector<16xi32>,
      %swap3A_294 = vector.shape_cast %swap3A_293 : vector<16xi32> to vector<16xi32>
      %swap3A_295 = vector.shape_cast %shift_right_logical3A_291 : vector<16xi32> to vector<16xi32>
      tpu.vector_store %arg5[%swap3A_292], %swap3A_295 {strides = array<i32>} : memref<128xi32, #tpu.memory_space<vmem>>, vector<16xi32>,
      "tpu.region"() ({
        %run_scoped3A = tpu.sem_alloc : memref<!tpu.dma_semaphore, #tpu.memory_space<semaphore_mem>>
        %dma_start3A = arith.constant 0 : i32
        %dma_start3A_296 = tpu.memref_slice %arg8[%dma_start3A] : memref<10240xf32, #tpu.memory_space<vmem_shared>> -> memref<10240xf32, #tpu.memory_space<vmem_shared>>
        tpu.enqueue_indirect_dma source(%arg6 : memref<128xf32, #tpu.memory_space<vmem>>) target(%dma_start3A_296 : memref<10240xf32, #tpu.memory_space<vmem_shared>>) offsets(%arg5 : memref<128xi32, #tpu.memory_space<vmem>>) semaphore(%run_scoped3A : memref<!tpu.dma_semaphore, #tpu.memory_space<semaphore_mem>>) {add = true}
        %dma_wait3A = arith.constant 0 : i32
        %dma_wait3A_297 = tpu.memref_slice %arg8[%dma_wait3A] : memref<10240xf32, #tpu.memory_space<vmem_shared>> -> memref<10240xf32, #tpu.memory_space<vmem_shared>>
        tpu.wait_indirect_dma semaphore(%run_scoped3A : memref<!tpu.dma_semaphore, #tpu.memory_space<semaphore_mem>>) src(%arg6 : memref<128xf32, #tpu.memory_space<vmem>>) dst(%dma_wait3A_297 : memref<10240xf32, #tpu.memory_space<vmem_shared>>)
        tpu.yield
      }) : () -> ()
    }
    %scan3A_203 = arith.constant 80 : i32
    %barrier3A_204 = arith.constant 0 : index
    tpu.barrier barrier_id(%barrier3A_204)
    %mul3A_205 = arith.constant 640 : i32
    %mul3A_206 = arith.muli %arg1, %mul3A_205 : i32
    %mul3A_207 = arith.constant 640 : i32
    %mul3A_208 = arith.muli %arg1, %mul3A_207 : i32
    "tpu.region"() ({
      %run_scoped3A = tpu.sem_alloc : memref<!tpu.dma_semaphore, #tpu.memory_space<semaphore_mem>>
      %dma_start3A = tpu.memref_slice %arg3[%arg0, %mul3A_208] : memref<2x10240xf32, #tpu.memory_space<hbm>> -> memref<1x640xf32, #tpu.memory_space<hbm>>
      %dma_start3A_209 = tpu.memref_squeeze %dma_start3A : memref<1x640xf32, #tpu.memory_space<hbm>> -> memref<640xf32, #tpu.memory_space<hbm>>
      %dma_start3A_210 = tpu.memref_slice %arg8[%mul3A_206] : memref<10240xf32, #tpu.memory_space<vmem_shared>> -> memref<640xf32, #tpu.memory_space<vmem_shared>>
      tpu.enqueue_dma source(%dma_start3A_210 : memref<640xf32, #tpu.memory_space<vmem_shared>>) target(%dma_start3A_209 : memref<640xf32, #tpu.memory_space<hbm>>) target_semaphore(%run_scoped3A : memref<!tpu.dma_semaphore, #tpu.memory_space<semaphore_mem>>)
      %dma_wait3A = tpu.memref_slice %arg3[%arg0, %mul3A_208] : memref<2x10240xf32, #tpu.memory_space<hbm>> -> memref<1x640xf32, #tpu.memory_space<hbm>>
      %dma_wait3A_211 = tpu.memref_squeeze %dma_wait3A : memref<1x640xf32, #tpu.memory_space<hbm>> -> memref<640xf32, #tpu.memory_space<hbm>>
      %dma_wait3A_212 = tpu.memref_slice %arg8[%mul3A_206] : memref<10240xf32, #tpu.memory_space<vmem_shared>> -> memref<640xf32, #tpu.memory_space<vmem_shared>>
      tpu.wait_dma2 semaphore(%run_scoped3A : memref<!tpu.dma_semaphore, #tpu.memory_space<semaphore_mem>>) src(%dma_wait3A_212 : memref<640xf32, #tpu.memory_space<vmem_shared>>) dst(%dma_wait3A_211 : memref<640xf32, #tpu.memory_space<hbm>>)
      tpu.yield
    }) : () -> ()
    return
  }
}

</mosaic_0001>

<sc_bundles>
// kernel: _deg_call.3.cloned.1.call-start
scs
__scs_entry_jumppad:
0x0: {  	(pc) =	sbr.rel $0x88, $3  }
0x1: {  	(tag) =	ssettag $0x0;
	lr =	simm.s32 $0x1  }
0x2: {  	[smem:$0x3FA0] =	sst lr;
	_ =	strace $0xD0000000  }
0x3: {  	_ = 	snop  }
0x4: {  	_ = 	snop  }
0x5: {  	_ = 	snop  }
0x6: {  	_ = 	snop  }
0x7: {  	_ = 	snop  }
__scs_overlays_trampoline_lowered:
0x8: {  	[smem:$0x3FAF] =	sst s0  }
0x9: {  	[smem:$0x3FB0] =	sst s1  }
0xa: {  	[smem:$0x3FB1] =	sst s2  }
0xb: {  	[smem:$0x3FB2] =	sst s3  }
0xc: {  	[smem:$0x3FB3] =	sst s4  }
0xd: {  	[smem:$0x3FB4] =	sst s5  }
0xe: {  	[smem:$0x3FB5] =	sst s6  }
0xf: {  	[smem:$0x3FB6] =	sst s7  }
0x10: {  	[smem:$0x3FB7] =	sst s8  }
0x11: {  	[smem:$0x3FB8] =	sst s9;
	s0 =	simm.s32 @!p0 $0x0  }
0x12: {  	s1 =	sld [smem:$0x3F9E];
	s0 =	simm.s32 @p0 $0x1  }
0x13: {  	[smem:$0x3FB9] =	sst s0;
	s0 =	simm.s32 @!p1 $0x0  }
0x14: {  	s2 =	sld [smem:$0x3F9D];
	s0 =	simm.s32 @p1 $0x1  }
0x15: {  	[smem:$0x3FBA] =	sst s0;
	s0 =	simm.s32 @!p2 $0x0  }
0x16: {  	s3 =	sld [smem:$0x3FDB];
	s0 =	simm.s32 @p2 $0x1  }
0x17: {  	s4 =	simm.s32 $0x1BF5;
	[smem:$0x3FBC] =	sst s0  }
0x18: {  	s0 =	sld [smem:$0x3F9F];
	_ =	swait.ge [sflag:s4], $0x0  }
0x19: {  	s7 =	sld [smem:$0x3FA0]  }
0x1a: {  	s8 =	sadd.s32 $0xFFFFE003, lr  }
0x1b: {  	s9 =	sadd.s32 $0xFFFFFEF7, lr;
	s5 =	simm.s32 $0xFFFFFFFF;
	p2 =	slt.u32 s8, $0xFFFFF086  }
0x1c: {  	p1 =	slt.u32 s9, $0xF7A;
	s5 =	simm.s32 @!p2 $0x0  }
0x1d: {  	s5 =	simm.s32 @p1 $0x1;
	p0 =	seq.s32 s7, s2  }
0x1e: {  	s7 =	smul.u32 @!p0 $0xF7A, s2;
	p2 =	seq.s32 @!p0 s5, $0x0  }
0x1f: {  	s9 =	smul.u32 $0xF7A, s1;
	s8 =	simm.s32 @!p0 $0x1BF5;
	p2 =	por !p2, p0  }
0x20: {  	[sflag:s8] =	ssyncset.s32 @!p0 $0xFFFFF086;
	s6 =	sadd.s32 @!p0 s3, s7;
	s7 =	simm.s32 @!p0 $0x108  }
0x21: {  	s3 =	sadd.s32 s3, s9;
	s6 =	sadd.s32 @!p0 $0x88, s6;
	s7 =	simm.s32 @p2 $0x1082  }
0x22: {  	[simem:s7], [sflag:s8] =	dma.local @!p0 [hbm:s6], $0xF7A  }
0x23: {  	s9 =	sor.u32 $0xD0000000, s2;
	s6 =	simm.s32 $0x108;
	_ =	swait.ge @!p0 [sflag:s8], $0x0  }
0x24: {  	s3 =	sadd.s32 $0x88, s3;
	s6 =	simm.s32 @!p1 $0x1082;
	[sflag:s4] =	ssyncset.s32 $0xFFFFF086  }
0x25: {  	[simem:s6], [sflag:s4] =	dma.local [hbm:s3], $0xF7A  }
0x26: {  	[smem:$0x3FA0] =	sst s1;
	(tag) =	ssettag s2;
	_ =	strace s9  }
0x27: {  	s1 =	sld [smem:$0x3FB0]  }
0x28: {  	s2 =	sld [smem:$0x3FB1]  }
0x29: {  	s4 =	sld [smem:$0x3FB3]  }
0x2a: {  	p0 =	seq.s32 s5, $0x0;
	s5 =	sld [smem:$0x3FB4]  }
0x2b: {  	s6 =	sld [smem:$0x3FB5]  }
0x2c: {  	s7 =	sld [smem:$0x3FB6]  }
0x2d: {  	s3 =	simm.s32 $0x108;
	s8 =	sld [smem:$0x3FB7]  }
0x2e: {  	s3 =	simm.s32 @!p0 $0x1082;
	s9 =	sld [smem:$0x3FB8]  }
0x2f: {  	lr =	sadd.s32 s0, s3;
	s0 =	sld [smem:$0x3FAF]  }
0x30: {  	s3 =	sld [smem:$0x3FB2]  }
0x31: {  	[smem:$0x3FBB] =	sst s10  }
0x32: {  	s10 =	sld [smem:$0x3FB9];
	_ =	sdelay $0x3  }
0x33: {  	p0 =	seq.s32 s10, $0x1;
	s10 =	sld [smem:$0x3FBB];
	_ =	sdelay $0x3  }
0x34: {  	[smem:$0x3FBB] =	sst s10  }
0x35: {  	s10 =	sld [smem:$0x3FBA];
	_ =	sdelay $0x3  }
0x36: {  	p1 =	seq.s32 s10, $0x1;
	s10 =	sld [smem:$0x3FBB];
	_ =	sdelay $0x3  }
0x37: {  	[smem:$0x3FBB] =	sst s10  }
0x38: {  	s10 =	sld [smem:$0x3FBC]  }
0x39: {  	_ = 	snop;
	(pc) =	sbr.ind lr, $3  }
0x3a: {  	_ = 	snop  }
0x3b: {  	_ = 	snop  }
0x3c: {  	p2 =	seq.s32 s10, $0x1;
	s10 =	sld [smem:$0x3FBB]  }
0x3d: {  	_ =	shalt  }
0x3e: {  	_ =	shalt  }
0x3f: {  	_ =	shalt  }
0x40: {  	_ =	shalt  }
0x41: {  	_ =	shalt  }
0x42: {  	_ =	shalt  }
0x43: {  	_ =	shalt  }
0x44: {  	_ =	shalt  }
0x45: {  	_ =	shalt  }
0x46: {  	_ =	shalt  }
0x47: {  	_ =	shalt  }
0x48: {  	_ =	shalt  }
0x49: {  	_ =	shalt  }
0x4a: {  	_ =	shalt  }
0x4b: {  	_ =	shalt  }
0x4c: {  	_ =	shalt  }
0x4d: {  	_ =	shalt  }
0x4e: {  	_ =	shalt  }
0x4f: {  	_ =	shalt  }
0x50: {  	_ =	shalt  }
0x51: {  	_ =	shalt  }
0x52: {  	_ =	shalt  }
0x53: {  	_ =	shalt  }
0x54: {  	_ =	shalt  }
0x55: {  	_ =	shalt  }
0x56: {  	_ =	shalt  }
0x57: {  	_ =	shalt  }
0x58: {  	_ =	shalt  }
0x59: {  	_ =	shalt  }
0x5a: {  	_ =	shalt  }
0x5b: {  	_ =	shalt  }
0x5c: {  	_ =	shalt  }
0x5d: {  	_ =	shalt  }
0x5e: {  	_ =	shalt  }
0x5f: {  	_ =	shalt  }
0x60: {  	_ =	shalt  }
0x61: {  	_ =	shalt  }
0x62: {  	_ =	shalt  }
0x63: {  	_ =	shalt  }
0x64: {  	_ =	shalt  }
0x65: {  	_ =	shalt  }
0x66: {  	_ =	shalt  }
0x67: {  	_ =	shalt  }
0x68: {  	_ =	shalt  }
0x69: {  	_ =	shalt  }
0x6a: {  	_ =	shalt  }
0x6b: {  	_ =	shalt  }
0x6c: {  	_ =	shalt  }
0x6d: {  	_ =	shalt  }
0x6e: {  	_ =	shalt  }
0x6f: {  	_ =	shalt  }
0x70: {  	_ =	shalt  }
0x71: {  	_ =	shalt  }
0x72: {  	_ =	shalt  }
0x73: {  	_ =	shalt  }
0x74: {  	_ =	shalt  }
0x75: {  	_ =	shalt  }
0x76: {  	_ =	shalt  }
0x77: {  	_ =	shalt  }
0x78: {  	_ =	shalt  }
0x79: {  	_ =	shalt  }
0x7a: {  	_ =	shalt  }
0x7b: {  	_ =	shalt  }
0x7c: {  	_ =	shalt  }
0x7d: {  	_ =	shalt  }
0x7e: {  	_ =	shalt  }
0x7f: {  	_ =	shalt  }
0x80: {  	_ =	shalt  }
0x81: {  	_ =	shalt  }
0x82: {  	_ =	shalt  }
0x83: {  	_ =	shalt  }
0x84: {  	_ =	shalt  }
0x85: {  	_ =	shalt  }
0x86: {  	_ =	shalt  }
0x87: {  	_ =	shalt  }
.Lfunc_end0:
.L_simem_size_0:
called_computation_lowered:
.L_overlay_start_0:
0x88: {  	s2 =	sld [smem:$0x3FD9]  }
0x89: {  	s3 =	sld [smem:$0x3FFE];
	_ =	sdelay $0x1  }
0x8a: {  	s1 =	srdreg.scid  }
0x8b: {  	s0 =	sand.u32 $0x1, s1  }
0x8c: {  	s18 =	sshll.u32 s0, $0xA;
	s2 =	sadd.s32 s3, s2  }
0x8d: {  	s2 =	sadd.s32 s2, s18  }
0x8e: {  	[smem:$0x3FC7] =	sst s2  }
0x8f: {  	_ = 	snop  }
0x90: {  	s2 =	sld [smem:$0x3FC9]  }
0x91: {  	s19 =	sld [smem:$0x3FD0];
	(tm) =	ssettm $0x1  }
0x92: {  	s4 =	sld [smem:$0x3FFB];
	_ =	sdelay $0x3  }
0x93: {  	_ =	strace s4  }
0x94: {  	s4 =	sld [smem:$0x3FFC];
	_ =	sdelay $0x3  }
0x95: {  	_ =	strace s4  }
0x96: {  	s4 =	sld [smem:$0x3FFD];
	_ =	sdelay $0x3  }
0x97: {  	_ =	strace s4  }
0x98: {  	_ =	strace $0x8FFFFFFF  }
0x99: {  	s20 =	sld [smem:$0x3FDB];
	_ =	sdelay $0x1  }
0x9a: {  	s5 =	simm.s32 $_scs_section_size  }
0x9b: {  	s6 =	simm.s32 $_size__tile_overlayer_lowered;
	s7 =	simm.s32 $_tile_overlayer_lowered  }
0x9c: {  	s23 =	simm.s32 $0x1BFF;
	s22 =	sshll.u32 s7, $0x1;
	s4 =	sadd.s32 s5, s20  }
0x9d: {  	s8 =	simm.s32 $0x0;
	s21 =	sshll.u32 s6, $0x1;
	s6 =	sadd.s32 s22, s4  }
0x9e: {  	[timem:s8], [sflag:s23] =	dma.local [hbm:s6], s21  }
0x9f: {  	_ =	swait.ge [sflag:s23], s21  }
0xa0: {  	s5 =	ssub.s32 $0x0, s21;
	[sflag:s23] =	ssyncset.done $0x0  }
0xa1: {  	[sflag:s23] =	ssyncadd.s32 s5;
	_ =	sdelay $0x1  }
0xa2: {  	s24 =	simm.s32 $0x1B8B  }
0xa3: {  	_ =	swait.ge [sflag:s24], $0x1  }
0xa4: {  	[sflag:s24] =	ssyncset.done $0x0  }
0xa5: {  	s25 =	simm.s32 $0x1B8E;
	[sflag:s24] =	ssyncadd.s32 $0xFFFFFFFF  }
0xa6: {  	s26 =	simm.s32 $execute0_lowered;
	[smem:$0x3FD2] =	sst s25  }
0xa7: {  	s5 =	sshll.u32 s26, $0x1;
	_ =	strace $0x80000046;
	[dreg:$0x1] =	wrdreg $0xFFFFFFFF  }
0xa8: {  	s28 =	simm.s32 $_size_execute0_lowered;
	s4 =	sadd.s32 s4, s5;
	[dreg:$0x0] =	wrdreg $0x0  }
0xa9: {  	s5 =	sshll.u32 s28, $0x1;
	[dreg:$0x2] =	wrdreg s4  }
0xaa: {  	[dreg:$0x3] =	wrdreg s5  }
0xab: {  	[dreg:$0x4] =	wrdreg $0xC0  }
0xac: {  	_ =	task [dreg:s8], $0x5FFFF  }
0xad: {  	[dreg:$0x1] =	wrdreg $0xFFFFFFFF  }
0xae: {  	[dreg:$0x0] =	wrdreg $0x60  }
0xaf: {  	[dreg:$0x2] =	wrdreg s2  }
0xb0: {  	[dreg:$0x3] =	wrdreg s19  }
0xb1: {  	[dreg:$0x4] =	wrdreg $0x2B800  }
0xb2: {  	[dreg:$0x5] =	wrdreg $0x9  }
0xb3: {  	_ =	task.clear_ibuf [dreg:s8], $0x6FFFF;
	_ =	strace $0x90000046  }
0xb4: {  	s29 =	simm.s32 $0x9;
	_ =	strace $0x80000048  }
0xb5: {  	_ =	swait.ge [sflag:s29], $0x1  }
0xb6: {  	[sflag:s29] =	ssyncadd.s32 $0xFFFFFFFF  }
0xb7: {  	_ =	strace $0x90000048  }
0xb8: {  	_ =	sfence  }
0xb9: {  	s30 =	sld [smem:$0x0];
	_ =	sdelay $0x2  }
0xba: {  	s31 =	sshll.u32 s1, $0xD;
	s1 =	sshrl.u32 s1, $0x2  }
0xbb: {  	s3 =	sand.u32 $0x4000, s31;
	s1 =	sadd.s32 s1, s30  }
0xbc: {  	s0 =	sor.u32 s3, s0;
	s1 =	sshll.u32 s1, $0x11  }
0xbd: {  	s0 =	sor.u32 s1, s0  }
0xbe: {  	s0 =	sadd.s32 $0x8F2B, s0  }
0xbf: {  	[sflag:s0] =	ssyncadd.remote.s32 $0x1  }
0xc0: {  	_ =	sfence.sel $0xFFFF  }
0xc1: {  	[dreg:$0x0] =	wrdreg $0xFFFFFFFF;
	(pc) =	sbr.abs _section_cstart, $3  }
0xc2: {  	[dreg:$0x1] =	wrdreg $0xFFFFFFFF  }
0xc3: {  	_ =	task.clear_ibuf [dreg:s8], $0x2FFFF;
	_ =	strace $0x9FFFFFFF  }
0xc4: {  	(tm) =	ssettm $0x7FFFFFFF  }
0xc5: {  	_ =	shalt  }
tec
execute0_lowered:
.L_overlay_start_1:
0x0: {  	(tag) =	ssettag $0x1  }
0x1: {  	s5 =	rddreg [dreg:$0x0]  }
0x2: {  	s6 =	rddreg [dreg:$0x1]  }
0x3: {  	s1 =	rddreg [dreg:$0x2]  }
0x4: {  	s0 =	rddreg [dreg:$0x3]  }
0x5: {  	s3 =	simm.s32 $0x0;
	s4 =	srdreg.scid;
	s2 =	stileid.u32  }
0x6: {  	s12 =	simm.s32 $0x2880;
	s15 =	simm.s32 $0x20;
	s16 =	simm.s32 $0x10  }
0x7: {  	s17 =	simm.s32 $0x0;
	[smem:$0x7FF] =	sst s3;
	s9 =	smul.u32 $0x500, s2  }
0x8: {  	s4 =	sand.u32 $0x1, s4;
	s10 =	smul.u32 $0xA00, s2;
	s13 =	sshll.u32 s2, $0x6  }
0x9: {  	_ =	strace $0x80000047;
	s7 =	ssub.s32 $0x2, s4;
	s8 =	sshll.u32 s4, $0x4  }
0xa: {  	s4 =	sshll.u32 s4, $0x7;
	s13 =	sor.u32 $0x1C01, s13;
	s8 =	sor.u32 s2, s8  }
0xb: {  	s11 =	sshrl.u32 s7, $0x1;
	s4 =	sor.u32 s4, s9;
	s30 =	sshrl.u32 s10, $0x2  }
0xc: {  	s9 =	simm.s32 $0x1;
	s10 =	simm.s32 $0x80;
	s8 =	smul.u32 $0x500, s8  }
0xd: {  	s7 =	ssub.s32 s7, s11;
	s31 =	sshrl.u32 s4, $0x3;
	s4 =	sadd.s32 s30, s1  }
0xe: {  	s11 =	simm.s32 $0x2800;
	s6 =	sadd.s32 s6, s31;
	s7 =	smax.u32 s7, $0x1  }
0xf: {  	v0 =	vimm.f32 $1.000000000e+00;
	v1 =	vimm.f32 $0.0e+00;
	s14 =	sshrl.u32 s4, $0x3;
	s5 =	sadd.s32 s5, s8;
	s8 =	simm.s32 $0x2900  }
.LBB2_1:
0x10: {  	[tilespmem:$0x2880] =	vst v0  }
0x11: {  	[tilespmem:$0x2890] =	vst v0  }
0x12: {  	[tilespmem:$0x28A0] =	vst v0  }
0x13: {  	[tilespmem:$0x28B0] =	vst v0  }
0x14: {  	[tilespmem:$0x28C0] =	vst v0  }
0x15: {  	[tilespmem:$0x28D0] =	vst v0  }
0x16: {  	[tilespmem:$0x28E0] =	vst v0  }
0x17: {  	[tilespmem:$0x28F0] =	vst v0  }
0x18: {  	[tilespmem:$0x2900] =	vst v1  }
0x19: {  	[tilespmem:$0x2910] =	vst v1  }
0x1a: {  	[tilespmem:$0x2920] =	vst v1  }
0x1b: {  	[tilespmem:$0x2930] =	vst v1  }
0x1c: {  	[tilespmem:$0x2940] =	vst v1  }
0x1d: {  	[tilespmem:$0x2950] =	vst v1  }
0x1e: {  	[tilespmem:$0x2960] =	vst v1  }
0x1f: {  	[tilespmem:$0x2970] =	vst v1  }
0x20: {  	[tilespmem:$0x2980] =	vst v1  }
0x21: {  	[tilespmem:$0x2990] =	vst v1  }
0x22: {  	[tilespmem:$0x29A0] =	vst v1  }
0x23: {  	[tilespmem:$0x29B0] =	vst v1  }
0x24: {  	[tilespmem:$0x29C0] =	vst v1  }
0x25: {  	[tilespmem:$0x29D0] =	vst v1  }
0x26: {  	[tilespmem:$0x29E0] =	vst v1  }
0x27: {  	[tilespmem:$0x29F0] =	vst v1  }
0x28: {  	[tilespmem:$0x2A00] =	vst v1  }
0x29: {  	[tilespmem:$0x2A10] =	vst v1  }
0x2a: {  	[tilespmem:$0x2A20] =	vst v1  }
0x2b: {  	[tilespmem:$0x2A30] =	vst v1  }
0x2c: {  	[tilespmem:$0x2A40] =	vst v1  }
0x2d: {  	[tilespmem:$0x2A50] =	vst v1  }
0x2e: {  	[tilespmem:$0x2A60] =	vst v1  }
0x2f: {  	[tilespmem:$0x2A70] =	vst v1  }
0x30: {  	[tilespmem:$0x2A80] =	vst v1  }
0x31: {  	[tilespmem:$0x2A90] =	vst v1  }
0x32: {  	[tilespmem:$0x2AA0] =	vst v1  }
0x33: {  	[tilespmem:$0x2AB0] =	vst v1  }
0x34: {  	[tilespmem:$0x2AC0] =	vst v1  }
0x35: {  	[tilespmem:$0x2AD0] =	vst v1  }
0x36: {  	[tilespmem:$0x2AE0] =	vst v1  }
0x37: {  	[tilespmem:$0x2AF0] =	vst v1  }
0x38: {  	[tilespmem:$0x2B00] =	vst v1  }
0x39: {  	[tilespmem:$0x2B10] =	vst v1  }
0x3a: {  	[tilespmem:$0x2B20] =	vst v1  }
0x3b: {  	[tilespmem:$0x2B30] =	vst v1  }
0x3c: {  	[tilespmem:$0x2B40] =	vst v1  }
0x3d: {  	[tilespmem:$0x2B50] =	vst v1  }
0x3e: {  	[tilespmem:$0x2B60] =	vst v1  }
0x3f: {  	[tilespmem:$0x2B70] =	vst v1  }
0x40: {  	[spmem:s4] =	stream.linear.scatter [tilespmem:s8], [sflag:$0x1], $0x280, $0x38;
	[tilespmem:$0x2E00] =	vst v63  }
0x41: {  	_ =	swait.ge [sflag:s9], $0x280  }
0x42: {  	[sflag:s9] =	ssyncset.done $0x0  }
0x43: {  	[sflag:s9] =	ssyncadd.s32 $0xFFFFFD80  }
0x44: {  	[tilespmem:s3], [sflag:$0x1] =	stream.linear.gather [hbm4b:s5+s3], $0x2800, $0x38;
	[tilespmem:$0x2E00] =	vst v63  }
0x45: {  	_ =	swait.ge [sflag:s9], $0x2800  }
0x46: {  	[sflag:s9] =	ssyncset.done $0x0  }
0x47: {  	[sflag:s9] =	ssyncadd.s32 $0xFFFFD800  }
0x48: {  	s18 =	simm.s32 $0x0;
	[bflag:$0x0] =	sbarrier.arrive $0xFFFF  }
0x49: {  	v2 =	vld [tilespmem:s18+$0x0];
	_ =	sdelay $0x4  }
0x4a: {  	v2 =	vshrl.u32 v2, $0xE  }
0x4b: {  	[tilespmem:$0x2800] =	vst v2  }
0x4c: {  	v2 =	vld [tilespmem:s18+$0x10];
	_ =	sdelay $0x4  }
0x4d: {  	v2 =	vshrl.u32 v2, $0xE  }
0x4e: {  	[tilespmem:$0x2810] =	vst v2  }
0x4f: {  	v2 =	vld [tilespmem:s18+$0x20];
	_ =	sdelay $0x4  }
0x50: {  	v2 =	vshrl.u32 v2, $0xE  }
0x51: {  	[tilespmem:$0x2820] =	vst v2  }
0x52: {  	v2 =	vld [tilespmem:s18+$0x30];
	_ =	sdelay $0x4  }
0x53: {  	v2 =	vshrl.u32 v2, $0xE  }
0x54: {  	[tilespmem:$0x2830] =	vst v2  }
0x55: {  	v2 =	vld [tilespmem:s18+$0x40];
	_ =	sdelay $0x4  }
0x56: {  	v2 =	vshrl.u32 v2, $0xE  }
0x57: {  	[tilespmem:$0x2840] =	vst v2  }
0x58: {  	v2 =	vld [tilespmem:s18+$0x50];
	_ =	sdelay $0x4  }
0x59: {  	v2 =	vshrl.u32 v2, $0xE  }
0x5a: {  	[tilespmem:$0x2850] =	vst v2  }
0x5b: {  	v2 =	vld [tilespmem:s18+$0x60];
	_ =	sdelay $0x4  }
0x5c: {  	v2 =	vshrl.u32 v2, $0xE  }
0x5d: {  	[tilespmem:$0x2860] =	vst v2  }
0x5e: {  	v2 =	vld [tilespmem:s18+$0x70];
	_ =	sdelay $0x4  }
0x5f: {  	v2 =	vshrl.u32 v2, $0xE  }
0x60: {  	[tilespmem:$0x2870] =	vst v2  }
0x61: {  	[spmem:s1] =	stream.indirect.scatter.add.f32 [tilespmem:s12], [sflag:$0x1], $0x1, s11, s10, $0xb8;
	[tilespmem:$0x2E00] =	vst v63  }
0x62: {  	_ =	swait.ge [sflag:s9], $0x80  }
0x63: {  	s21 =	simm.s32 $0x400;
	s18 =	simm.s32 $0x200;
	[sflag:s9] =	ssyncset.done $0x0  }
.LBB2_2:
0x64: {  	s20 =	sshra.s32 s18, $0x2  }
0x65: {  	[sflag:s9] =	ssyncadd.s32 $0xFFFFFF80;
	s18 =	smov.u32 s21;
	s19 =	sadd.s32 $0x200, s21  }
0x66: {  	p0 =	sne.s32 s21, $0x9E00;
	v2 =	vld [tilespmem:s20+$0x0];
	_ =	sdelay $0x4  }
0x67: {  	v2 =	vshrl.u32 v2, $0xE  }
0x68: {  	[tilespmem:$0x2800] =	vst v2  }
0x69: {  	v2 =	vld [tilespmem:s20+$0x10];
	_ =	sdelay $0x4  }
0x6a: {  	v2 =	vshrl.u32 v2, $0xE  }
0x6b: {  	[tilespmem:$0x2810] =	vst v2  }
0x6c: {  	v2 =	vld [tilespmem:s20+$0x20];
	_ =	sdelay $0x4  }
0x6d: {  	v2 =	vshrl.u32 v2, $0xE  }
0x6e: {  	[tilespmem:$0x2820] =	vst v2  }
0x6f: {  	v2 =	vld [tilespmem:s20+$0x30];
	_ =	sdelay $0x4  }
0x70: {  	v2 =	vshrl.u32 v2, $0xE  }
0x71: {  	[tilespmem:$0x2830] =	vst v2  }
0x72: {  	v2 =	vld [tilespmem:s20+$0x40];
	_ =	sdelay $0x4  }
0x73: {  	v2 =	vshrl.u32 v2, $0xE  }
0x74: {  	[tilespmem:$0x2840] =	vst v2  }
0x75: {  	v2 =	vld [tilespmem:s20+$0x50];
	_ =	sdelay $0x4  }
0x76: {  	v2 =	vshrl.u32 v2, $0xE  }
0x77: {  	[tilespmem:$0x2850] =	vst v2  }
0x78: {  	v2 =	vld [tilespmem:s20+$0x60];
	_ =	sdelay $0x4  }
0x79: {  	v2 =	vshrl.u32 v2, $0xE  }
0x7a: {  	[tilespmem:$0x2860] =	vst v2  }
0x7b: {  	v2 =	vld [tilespmem:s20+$0x70];
	_ =	sdelay $0x4  }
.Ltmp0:
0x7c: {  	v2 =	vshrl.u32 v2, $0xE;
	(pc) =	sbr.rel @p0 .LBB2_2-.Ltmp0, $4  }
0x7d: {  	[tilespmem:$0x2870] =	vst v2  }
0x7e: {  	[spmem:s1] =	stream.indirect.scatter.add.f32 [tilespmem:s12], [sflag:$0x1], $0x1, s11, s10, $0xb8;
	[tilespmem:$0x2E00] =	vst v63  }
0x7f: {  	_ =	swait.ge [sflag:s9], $0x80  }
0x80: {  	s21 =	smov.u32 s19;
	[sflag:s9] =	ssyncset.done $0x0  }
0x81: {  	s18 =	sshra.s32 s18, $0x2;
	[sflag:s9] =	ssyncadd.s32 $0xFFFFFF80  }
0x82: {  	v2 =	vld [tilespmem:s18+$0x0];
	_ =	sdelay $0x4  }
0x83: {  	v2 =	vshrl.u32 v2, $0xE  }
0x84: {  	[tilespmem:$0x2800] =	vst v2  }
0x85: {  	v2 =	vld [tilespmem:s18+$0x10];
	_ =	sdelay $0x4  }
0x86: {  	v2 =	vshrl.u32 v2, $0xE  }
0x87: {  	[tilespmem:$0x2810] =	vst v2  }
0x88: {  	v2 =	vld [tilespmem:s18+$0x20];
	_ =	sdelay $0x4  }
0x89: {  	v2 =	vshrl.u32 v2, $0xE  }
0x8a: {  	[tilespmem:$0x2820] =	vst v2  }
0x8b: {  	v2 =	vld [tilespmem:s18+$0x30];
	_ =	sdelay $0x4  }
0x8c: {  	v2 =	vshrl.u32 v2, $0xE  }
0x8d: {  	[tilespmem:$0x2830] =	vst v2  }
0x8e: {  	v2 =	vld [tilespmem:s18+$0x40];
	_ =	sdelay $0x4  }
0x8f: {  	v2 =	vshrl.u32 v2, $0xE  }
0x90: {  	[tilespmem:$0x2840] =	vst v2  }
0x91: {  	v2 =	vld [tilespmem:s18+$0x50];
	_ =	sdelay $0x4  }
0x92: {  	v2 =	vshrl.u32 v2, $0xE  }
0x93: {  	[tilespmem:$0x2850] =	vst v2  }
0x94: {  	v2 =	vld [tilespmem:s18+$0x60];
	_ =	sdelay $0x4  }
0x95: {  	v2 =	vshrl.u32 v2, $0xE  }
0x96: {  	[tilespmem:$0x2860] =	vst v2  }
0x97: {  	v2 =	vld [tilespmem:s18+$0x70];
	_ =	sdelay $0x4  }
0x98: {  	v2 =	vshrl.u32 v2, $0xE  }
0x99: {  	[tilespmem:$0x2870] =	vst v2  }
0x9a: {  	[spmem:s1] =	stream.indirect.scatter.add.f32 [tilespmem:s12], [sflag:$0x1], $0x1, s11, s10, $0xb8;
	[tilespmem:$0x2E00] =	vst v63  }
0x9b: {  	_ =	swait.ge [sflag:s9], $0x80  }
0x9c: {  	s17 =	sadd.s32 $0x1, s17;
	[sflag:s9] =	ssyncset.done $0x0  }
0x9d: {  	p0 =	sne.s32 s17, s7;
	[sflag:s9] =	ssyncadd.s32 $0xFFFFFF80  }
.Ltmp1:
0x9e: {  	[bflag:$0x0] =	sbarrier.arrive $0xFFFF;
	(pc) =	sbr.rel @p0 .LBB2_1-.Ltmp1, $4  }
0x9f: {  	[hbm:s6@s15], [sflag:s13] =	dma.strided [spmem:s14@s16], $0x50, s9, $0x10   }
0xa0: {  	_ =	swait.ge [sflag:s9], $0x50  }
0xa1: {  	[sflag:s9] =	ssyncset.done $0x0  }
0xa2: {  	[sflag:s9] =	ssyncadd.s32 $0xFFFFFFB0  }
0xa3: {  	_ =	sfence.sel $0x180000  }
0xa4: {  	[bflag:$0x0] =	sbarrier.arrive $0xFFFF  }
0xa5: {  	p0 =	sne.s32 s2, $0x0;
	_ =	strace $0x90000047  }
0xa6: {  	s0 =	sadd.s32 @!p0 $0x100000, s0;
	[bflag:$0x2] =	sbarrier.arrive $0xFFFF  }
0xa7: {  	[sflag:s0] =	ssyncadd.tile.s32 @!p0 $0x1;
	_ =	shalt  }
.Lfunc_end2:
_tile_overlayer_lowered:
.L_overlay_start_2:
0xa8: {  	(tag) =	ssettag $0x2  }
0xa9: {  	s0 =	rddreg [dreg:$0x0];
	s2 =	stileid.u32  }
0xaa: {  	s1 =	rddreg [dreg:$0x1];
	p0 =	sne.s32 s2, $0x0  }
0xab: {  	s3 =	rddreg [dreg:$0x2];
	[bflag:$0x3] =	sbarrier.arrive $0xFFFF;
	s2 =	simm.s32 @!p0 $0x1C01  }
0xac: {  	[timem:s3], [sflag:s2] =	dma.local @!p0 [hbm:s0], s1  }
0xad: {  	s0 =	simm.s32 @!p0 $0x1  }
0xae: {  	_ =	swait.ge @!p0 [sflag:s0], s1  }
0xaf: {  	s1 =	ssub.s32 @!p0 $0x0, s1;
	[sflag:s0] =	ssyncset.done @!p0 $0x0  }
0xb0: {  	[sflag:s0] =	ssyncadd.s32 @!p0 s1  }
0xb1: {  	[bflag:$0x3] =	sbarrier.arrive $0xFFFF  }
0xb2: {  	_ =	shalt  }

</sc_bundles>
